<compile_context>
chip_gen: v7x
topology: tpu7x:2x2x1
jax: 0.10.2.dev20260603
libtpu: 0.0.44.dev20260713+nightly
codegen_flags: <defaults>
</compile_context>

<pallas_src>
import functools

import jax
import jax.numpy as jnp
from jax import lax
from jax.experimental import pallas as pl
from jax.experimental.pallas import tpu as pltpu
from jax.experimental.pallas import tpu_sc as plsc

NEG_SLOPE = 0.2

NC = 2
NS = 16
NW = NC * NS
B = 128


def _mm_body(x_ref, w_ref, ms_ref, md_ref, t64_ref, td_ref):
    h = jnp.dot(x_ref[...], w_ref[...], preferred_element_type=jnp.float32)
    ts = jnp.dot(h, ms_ref[...], preferred_element_type=jnp.float32)
    td = jnp.dot(h, md_ref[...], preferred_element_type=jnp.float32)
    t64_ref[...] = jnp.concatenate([h, ts], axis=1)
    td_ref[...] = td


def _fin_body(p_ref, b_ref, o_ref):
    s = p_ref[0] + p_ref[1]
    o_ref[...] = s[:, :32] / s[:, 32:] + b_ref[...]


def _make_sc_kernel(np_rows, ch):
    mesh = plsc.VectorSubcoreMesh(core_axis_name="c", subcore_axis_name="s")
    rpt = np_rows // NS
    @functools.partial(
        pl.kernel,
        out_type=jax.ShapeDtypeStruct((NC, np_rows, 64), jnp.float32),
        mesh=mesh,
        scratch_types=[
            pltpu.VMEM((B,), jnp.int32),
            pltpu.VMEM((B,), jnp.int32),
            pltpu.VMEM((B, 64), jnp.float32),
            pltpu.VMEM((B, 32), jnp.float32),
            pltpu.VMEM((B, 64), jnp.float32),
            pltpu.VMEM((np_rows // NS, 64), jnp.float32),
            pltpu.VMEM_SHARED((np_rows, 64), jnp.float32),
            pltpu.SemaphoreType.DMA,
            pltpu.SemaphoreType.DMA,
        ],
        compiler_params=pltpu.CompilerParams(use_tc_tiling_on_sc=False),
    )
    def sc_kernel(t64, t_d, srcp, dstp, zz, outp, idx_s, idx_d, rows64, rows_d,
                  outb, stage, acc, sem1, sem2):
        cid = lax.axis_index("c")
        sid = lax.axis_index("s")
        wid = sid * NC + cid
        r0 = sid * rpt
        pltpu.sync_copy(zz.at[pl.ds(r0, rpt)], stage)
        pltpu.sync_copy(stage, acc.at[pl.ds(r0, rpt)])
        plsc.subcore_barrier()

        def chunk(c, carry):
            base = (wid * ch + c) * B
            pltpu.sync_copy(srcp.at[pl.ds(base, B)], idx_s)
            pltpu.sync_copy(dstp.at[pl.ds(base, B)], idx_d)
            cp1 = pltpu.async_copy(t64.at[idx_s], rows64, sem1)
            cp2 = pltpu.async_copy(t_d.at[idx_d], rows_d, sem2)
            cp1.wait()
            cp2.wait()

            def edge(e, carry2):
                for q in (0, 16):
                    a_s = rows64[e, pl.ds(32 + q, 16)]
                    a_d = rows_d[e, pl.ds(q, 16)]
                    al = a_s + a_d
                    al = jnp.where(al >= 0.0, al, al * NEG_SLOPE)
                    ex = jnp.exp(al)
                    outb[e, pl.ds(q, 16)] = rows64[e, pl.ds(q, 16)] * ex
                    outb[e, pl.ds(32 + q, 16)] = ex
                return carry2

            lax.fori_loop(0, B, edge, 0)
            pltpu.sync_copy(outb, acc.at[idx_d], add=True)
            return carry

        lax.fori_loop(0, ch, chunk, 0)
        plsc.subcore_barrier()
        pltpu.sync_copy(acc.at[pl.ds(r0, rpt)], stage)
        pltpu.sync_copy(stage, outp.at[cid, pl.ds(r0, rpt)])

    return sc_kernel


def kernel(x, edge_index, W, att_src, att_dst, bias):
    n, in_c = x.shape
    e = edge_index.shape[1]
    hc = W.shape[1]
    heads = att_src.shape[1]
    out_c = att_src.shape[2]

    kk = jnp.arange(hc)
    same_head = (kk[:, None] // out_c) == (kk[None, :] // out_c)
    a_s = att_src.reshape(heads, out_c)
    a_d = att_dst.reshape(heads, out_c)
    vals_s = a_s[kk[None, :] // out_c, kk[:, None] % out_c]
    vals_d = a_d[kk[None, :] // out_c, kk[:, None] % out_c]
    ms = jnp.where(same_head, vals_s, 0.0).astype(jnp.float32)
    md = jnp.where(same_head, vals_d, 0.0).astype(jnp.float32)

    np_rows = ((n + 16) + 639) // 640 * 640
    xp = jnp.pad(x.astype(jnp.float32), ((0, np_rows - n), (0, 0)))

    m = e + n
    ch = -(-m // (NW * B))
    m_pad = NW * B * ch
    loop = jnp.arange(n, dtype=edge_index.dtype)
    srcp = jnp.concatenate(
        [edge_index[0], loop,
         jnp.zeros((m_pad - m,), dtype=edge_index.dtype)])
    dstp = jnp.concatenate(
        [edge_index[1], loop,
         jnp.full((m_pad - m,), n, dtype=edge_index.dtype)])
    zz = jnp.zeros((np_rows, 64), jnp.float32)

    grid1 = np_rows // 640
    t64, t_d = pl.pallas_call(
        _mm_body,
        grid=(grid1,),
        in_specs=[
            pl.BlockSpec((640, in_c), lambda i: (i, 0)),
            pl.BlockSpec((in_c, hc), lambda i: (0, 0)),
            pl.BlockSpec((hc, hc), lambda i: (0, 0)),
            pl.BlockSpec((hc, hc), lambda i: (0, 0)),
        ],
        out_specs=[
            pl.BlockSpec((640, 64), lambda i: (i, 0)),
            pl.BlockSpec((640, 32), lambda i: (i, 0)),
        ],
        out_shape=[
            jax.ShapeDtypeStruct((np_rows, 64), jnp.float32),
            jax.ShapeDtypeStruct((np_rows, 32), jnp.float32),
        ],
    )(xp, W.astype(jnp.float32), ms, md)

    outp = _make_sc_kernel(np_rows, ch)(t64, t_d, srcp, dstp, zz)

    rows_blk = 640
    grid3 = np_rows // rows_blk
    out = pl.pallas_call(
        _fin_body,
        grid=(grid3,),
        in_specs=[
            pl.BlockSpec((2, rows_blk, 64), lambda i: (0, i, 0)),
            pl.BlockSpec((1, hc), lambda i: (0, 0)),
        ],
        out_specs=pl.BlockSpec((rows_blk, hc), lambda i: (i, 0)),
        out_shape=jax.ShapeDtypeStruct((np_rows, hc), jnp.float32),
    )(outp, bias.reshape(1, hc).astype(jnp.float32))
    return out[:n]

# --- scband reference (transcript-rebuilt; emitter-appended) ---
"""Pipeline reference for scband-gatlayer-30949534335543 (READ-ONLY COPY).

The authoritative reference and input builder live on the scoring server;
editing this copy changes nothing except your own understanding.
"""

import jax, jax.numpy as jnp
import numpy as np

N = 10000
E = 320000
IN_C = 128
OUT_C = 8
HEADS = 4
NEG_SLOPE = 0.2


def setup_inputs(seed: int = 0) -> dict:
    key = jax.random.key(seed)
    k1, k2, k3, k4, k5 = jax.random.split(key, 5)
    x = jax.random.normal(k1, (N, IN_C), dtype=jnp.float32)
    edge_index = jax.random.randint(k2, (2, E), 0, N, dtype=jnp.int32)
    W = jax.random.normal(k3, (IN_C, HEADS * OUT_C), dtype=jnp.float32) * 0.05
    att_src = jax.random.normal(k4, (1, HEADS, OUT_C), dtype=jnp.float32) * 0.05
    att_dst = jax.random.normal(k5, (1, HEADS, OUT_C), dtype=jnp.float32) * 0.05
    bias = jnp.zeros((HEADS * OUT_C,), dtype=jnp.float32)
    return {"x": x, "edge_index": edge_index, "W": W, "att_src": att_src, "att_dst": att_dst, "bias": bias}


def reference(x, edge_index, W, att_src, att_dst, bias):
    # Faithful GATConv (v1) forward: x.float() cast, linear transform,
    # self-loops, per-dst softmax attention, scatter-add aggregation,
    # concat heads, add bias.
    x = x.astype(jnp.float32)
    loop = jnp.arange(N, dtype=edge_index.dtype)
    src = jnp.concatenate([edge_index[0], loop])  # message sources j
    dst = jnp.concatenate([edge_index[1], loop])  # message targets i
    h = (x @ W).reshape(N, HEADS, OUT_C)
    a_src = jnp.sum(h * att_src, axis=-1)  # [N, H]
    a_dst = jnp.sum(h * att_dst, axis=-1)  # [N, H]
    alpha = a_src[src] + a_dst[dst]        # [E+N, H]
    alpha = jax.nn.leaky_relu(alpha, NEG_SLOPE)
    amax = jax.ops.segment_max(alpha, dst, num_segments=N)
    amax = jnp.where(jnp.isfinite(amax), amax, 0.0)
    ex = jnp.exp(alpha - amax[dst])
    denom = jax.ops.segment_sum(ex, dst, num_segments=N)
    attn = ex / (denom[dst] + 1e-16)       # softmax over incoming edges
    msg = h[src] * attn[:, :, None]        # [E+N, H, C]
    out = jax.ops.segment_sum(msg, dst, num_segments=N)  # [N, H, C]
    out = out.reshape(N, HEADS * OUT_C) + bias
    return out

if __name__ == "__main__":
    import jax
    _d = setup_inputs()
    print(jax.jit(kernel)(*tuple(_d.values())))

</pallas_src>

<mosaic_0001>
#map = affine_map<(d0, d1) -> (0, 0)>
#map1 = affine_map<(d0, d1) -> (0)>
#map2 = affine_map<(d0, d1) -> (0, 0, 0)>
module attributes {stable_mosaic.version = 14 : i64} {
  func.func @sc_kernel(%arg0: i32, %arg1: i32, %arg2: memref<10240x64xf32, #tpu.memory_space<hbm>>, %arg3: memref<10240x32xf32, #tpu.memory_space<hbm>>, %arg4: memref<331776xi32, #tpu.memory_space<hbm>>, %arg5: memref<331776xi32, #tpu.memory_space<hbm>>, %arg6: memref<10240x64xf32, #tpu.memory_space<hbm>>, %arg7: memref<2x10240x64xf32, #tpu.memory_space<hbm>>, %arg8: memref<128xi32, #tpu.memory_space<vmem>>, %arg9: memref<128xi32, #tpu.memory_space<vmem>>, %arg10: memref<128x64xf32, #tpu.memory_space<vmem>>, %arg11: memref<128x32xf32, #tpu.memory_space<vmem>>, %arg12: memref<128x64xf32, #tpu.memory_space<vmem>>, %arg13: memref<640x64xf32, #tpu.memory_space<vmem>>, %arg14: memref<10240x64xf32, #tpu.memory_space<vmem_shared>>, %arg15: memref<!tpu.dma_semaphore, #tpu.memory_space<semaphore_mem>>, %arg16: memref<!tpu.dma_semaphore, #tpu.memory_space<semaphore_mem>>) attributes {dimension_semantics = [#tpu.dimension_semantics<core_parallel>, #tpu.dimension_semantics<subcore_parallel>], iteration_bounds = array<i64: 2, 16>, scalar_prefetch = 0 : i64, scratch_operands = 9 : i64, tpu.core_type = #tpu.core_type<sc_vector_subcore>, window_params = [{transform_indices = #map}, {transform_indices = #map}, {transform_indices = #map1}, {transform_indices = #map1}, {transform_indices = #map}, {transform_indices = #map2}]} {
    %mul3A = arith.constant 2 : i32
    %mul3A_0 = arith.muli %arg1, %mul3A : i32
    %add3A = arith.addi %mul3A_0, %arg0 : i32
    %mul3A_1 = arith.constant 640 : i32
    %mul3A_2 = arith.muli %arg1, %mul3A_1 : i32
    "tpu.region"() ({
      %run_scoped3A = tpu.sem_alloc : memref<!tpu.dma_semaphore, #tpu.memory_space<semaphore_mem>>
      %dma_start3A = arith.constant 0 : i32
      %dma_start3A_9 = tpu.memref_slice %arg6[%mul3A_2, %dma_start3A] : memref<10240x64xf32, #tpu.memory_space<hbm>> -> memref<640x64xf32, #tpu.memory_space<hbm>>
      %dma_start3A_10 = arith.constant 0 : i32
      %dma_start3A_11 = tpu.memref_slice %arg6[%mul3A_2, %dma_start3A_10] : memref<10240x64xf32, #tpu.memory_space<hbm>> -> memref<640x64xf32, #tpu.memory_space<hbm>>
      tpu.enqueue_dma source(%dma_start3A_11 : memref<640x64xf32, #tpu.memory_space<hbm>>) target(%arg13 : memref<640x64xf32, #tpu.memory_space<vmem>>) target_semaphore(%run_scoped3A : memref<!tpu.dma_semaphore, #tpu.memory_space<semaphore_mem>>)
      %dma_wait3A = arith.constant 0 : i32
      %dma_wait3A_12 = tpu.memref_slice %arg6[%mul3A_2, %dma_wait3A] : memref<10240x64xf32, #tpu.memory_space<hbm>> -> memref<640x64xf32, #tpu.memory_space<hbm>>
      %dma_wait3A_13 = arith.constant 0 : i32
      %dma_wait3A_14 = tpu.memref_slice %arg6[%mul3A_2, %dma_wait3A_13] : memref<10240x64xf32, #tpu.memory_space<hbm>> -> memref<640x64xf32, #tpu.memory_space<hbm>>
      tpu.wait_dma2 semaphore(%run_scoped3A : memref<!tpu.dma_semaphore, #tpu.memory_space<semaphore_mem>>) src(%dma_wait3A_14 : memref<640x64xf32, #tpu.memory_space<hbm>>) dst(%arg13 : memref<640x64xf32, #tpu.memory_space<vmem>>)
      tpu.yield
    }) : () -> ()
    "tpu.region"() ({
      %run_scoped3A = tpu.sem_alloc : memref<!tpu.dma_semaphore, #tpu.memory_space<semaphore_mem>>
      %dma_start3A = arith.constant 0 : i32
      %dma_start3A_9 = tpu.memref_slice %arg14[%mul3A_2, %dma_start3A] : memref<10240x64xf32, #tpu.memory_space<vmem_shared>> -> memref<640x64xf32, #tpu.memory_space<vmem_shared>>
      %dma_start3A_10 = arith.constant 0 : i32
      %dma_start3A_11 = tpu.memref_slice %arg14[%mul3A_2, %dma_start3A_10] : memref<10240x64xf32, #tpu.memory_space<vmem_shared>> -> memref<640x64xf32, #tpu.memory_space<vmem_shared>>
      tpu.enqueue_dma source(%arg13 : memref<640x64xf32, #tpu.memory_space<vmem>>) target(%dma_start3A_11 : memref<640x64xf32, #tpu.memory_space<vmem_shared>>) target_semaphore(%run_scoped3A : memref<!tpu.dma_semaphore, #tpu.memory_space<semaphore_mem>>)
      %dma_wait3A = arith.constant 0 : i32
      %dma_wait3A_12 = tpu.memref_slice %arg14[%mul3A_2, %dma_wait3A] : memref<10240x64xf32, #tpu.memory_space<vmem_shared>> -> memref<640x64xf32, #tpu.memory_space<vmem_shared>>
      %dma_wait3A_13 = arith.constant 0 : i32
      %dma_wait3A_14 = tpu.memref_slice %arg14[%mul3A_2, %dma_wait3A_13] : memref<10240x64xf32, #tpu.memory_space<vmem_shared>> -> memref<640x64xf32, #tpu.memory_space<vmem_shared>>
      tpu.wait_dma2 semaphore(%run_scoped3A : memref<!tpu.dma_semaphore, #tpu.memory_space<semaphore_mem>>) src(%arg13 : memref<640x64xf32, #tpu.memory_space<vmem>>) dst(%dma_wait3A_14 : memref<640x64xf32, #tpu.memory_space<vmem_shared>>)
      tpu.yield
    }) : () -> ()
    %barrier3A = arith.constant 0 : index
    tpu.barrier barrier_id(%barrier3A)
    %scan3A = arith.constant 0 : i32
    %scan3A_3 = arith.constant 0 : i32
    %scan3A_4 = arith.constant 81 : i32
    %scan3A_5 = arith.addi %scan3A_3, %scan3A_4 : i32
    %scan3A_6 = arith.constant 1 : i32
    scf.for %scan3A_9 = %scan3A_3 to %scan3A_5 step %scan3A_6  : i32 {
      %mul3A_10 = arith.constant 81 : i32
      %mul3A_11 = arith.muli %add3A, %mul3A_10 : i32
      %add3A_12 = arith.addi %mul3A_11, %scan3A_9 : i32
      %mul3A_13 = arith.constant 128 : i32
      %mul3A_14 = arith.muli %add3A_12, %mul3A_13 : i32
      "tpu.region"() ({
        %run_scoped3A = tpu.sem_alloc : memref<!tpu.dma_semaphore, #tpu.memory_space<semaphore_mem>>
        %dma_start3A_31 = tpu.memref_slice %arg4[%mul3A_14] : memref<331776xi32, #tpu.memory_space<hbm>> -> memref<128xi32, #tpu.memory_space<hbm>>
        %dma_start3A_32 = tpu.memref_slice %arg4[%mul3A_14] : memref<331776xi32, #tpu.memory_space<hbm>> -> memref<128xi32, #tpu.memory_space<hbm>>
        tpu.enqueue_dma source(%dma_start3A_32 : memref<128xi32, #tpu.memory_space<hbm>>) target(%arg8 : memref<128xi32, #tpu.memory_space<vmem>>) target_semaphore(%run_scoped3A : memref<!tpu.dma_semaphore, #tpu.memory_space<semaphore_mem>>)
        %dma_wait3A_33 = tpu.memref_slice %arg4[%mul3A_14] : memref<331776xi32, #tpu.memory_space<hbm>> -> memref<128xi32, #tpu.memory_space<hbm>>
        %dma_wait3A_34 = tpu.memref_slice %arg4[%mul3A_14] : memref<331776xi32, #tpu.memory_space<hbm>> -> memref<128xi32, #tpu.memory_space<hbm>>
        tpu.wait_dma2 semaphore(%run_scoped3A : memref<!tpu.dma_semaphore, #tpu.memory_space<semaphore_mem>>) src(%dma_wait3A_34 : memref<128xi32, #tpu.memory_space<hbm>>) dst(%arg8 : memref<128xi32, #tpu.memory_space<vmem>>)
        tpu.yield
      }) : () -> ()
      "tpu.region"() ({
        %run_scoped3A = tpu.sem_alloc : memref<!tpu.dma_semaphore, #tpu.memory_space<semaphore_mem>>
        %dma_start3A_31 = tpu.memref_slice %arg5[%mul3A_14] : memref<331776xi32, #tpu.memory_space<hbm>> -> memref<128xi32, #tpu.memory_space<hbm>>
        %dma_start3A_32 = tpu.memref_slice %arg5[%mul3A_14] : memref<331776xi32, #tpu.memory_space<hbm>> -> memref<128xi32, #tpu.memory_space<hbm>>
        tpu.enqueue_dma source(%dma_start3A_32 : memref<128xi32, #tpu.memory_space<hbm>>) target(%arg9 : memref<128xi32, #tpu.memory_space<vmem>>) target_semaphore(%run_scoped3A : memref<!tpu.dma_semaphore, #tpu.memory_space<semaphore_mem>>)
        %dma_wait3A_33 = tpu.memref_slice %arg5[%mul3A_14] : memref<331776xi32, #tpu.memory_space<hbm>> -> memref<128xi32, #tpu.memory_space<hbm>>
        %dma_wait3A_34 = tpu.memref_slice %arg5[%mul3A_14] : memref<331776xi32, #tpu.memory_space<hbm>> -> memref<128xi32, #tpu.memory_space<hbm>>
        tpu.wait_dma2 semaphore(%run_scoped3A : memref<!tpu.dma_semaphore, #tpu.memory_space<semaphore_mem>>) src(%dma_wait3A_34 : memref<128xi32, #tpu.memory_space<hbm>>) dst(%arg9 : memref<128xi32, #tpu.memory_space<vmem>>)
        tpu.yield
      }) : () -> ()
      %dma_start3A = arith.constant 0 : i32
      %dma_start3A_15 = arith.constant 0 : i32
      %dma_start3A_16 = tpu.memref_slice %arg2[%dma_start3A, %dma_start3A_15] : memref<10240x64xf32, #tpu.memory_space<hbm>> -> memref<10240x64xf32, #tpu.memory_space<hbm>>
      tpu.enqueue_indirect_dma source(%dma_start3A_16 : memref<10240x64xf32, #tpu.memory_space<hbm>>) target(%arg10 : memref<128x64xf32, #tpu.memory_space<vmem>>) offsets(%arg8 : memref<128xi32, #tpu.memory_space<vmem>>) semaphore(%arg15 : memref<!tpu.dma_semaphore, #tpu.memory_space<semaphore_mem>>)
      %dma_start3A_17 = arith.constant 0 : i32
      %dma_start3A_18 = arith.constant 0 : i32
      %dma_start3A_19 = tpu.memref_slice %arg3[%dma_start3A_17, %dma_start3A_18] : memref<10240x32xf32, #tpu.memory_space<hbm>> -> memref<10240x32xf32, #tpu.memory_space<hbm>>
      tpu.enqueue_indirect_dma source(%dma_start3A_19 : memref<10240x32xf32, #tpu.memory_space<hbm>>) target(%arg11 : memref<128x32xf32, #tpu.memory_space<vmem>>) offsets(%arg9 : memref<128xi32, #tpu.memory_space<vmem>>) semaphore(%arg16 : memref<!tpu.dma_semaphore, #tpu.memory_space<semaphore_mem>>)
      %dma_wait3A = arith.constant 0 : i32
      %dma_wait3A_20 = arith.constant 0 : i32
      %dma_wait3A_21 = tpu.memref_slice %arg2[%dma_wait3A, %dma_wait3A_20] : memref<10240x64xf32, #tpu.memory_space<hbm>> -> memref<10240x64xf32, #tpu.memory_space<hbm>>
      tpu.wait_indirect_dma semaphore(%arg15 : memref<!tpu.dma_semaphore, #tpu.memory_space<semaphore_mem>>) src(%dma_wait3A_21 : memref<10240x64xf32, #tpu.memory_space<hbm>>) dst(%arg10 : memref<128x64xf32, #tpu.memory_space<vmem>>)
      %dma_wait3A_22 = arith.constant 0 : i32
      %dma_wait3A_23 = arith.constant 0 : i32
      %dma_wait3A_24 = tpu.memref_slice %arg3[%dma_wait3A_22, %dma_wait3A_23] : memref<10240x32xf32, #tpu.memory_space<hbm>> -> memref<10240x32xf32, #tpu.memory_space<hbm>>
      tpu.wait_indirect_dma semaphore(%arg16 : memref<!tpu.dma_semaphore, #tpu.memory_space<semaphore_mem>>) src(%dma_wait3A_24 : memref<10240x32xf32, #tpu.memory_space<hbm>>) dst(%arg11 : memref<128x32xf32, #tpu.memory_space<vmem>>)
      %scan3A_25 = arith.constant 0 : i32
      %scan3A_26 = arith.constant 0 : i32
      %scan3A_27 = arith.constant 128 : i32
      %scan3A_28 = arith.addi %scan3A_26, %scan3A_27 : i32
      %scan3A_29 = arith.constant 1 : i32
      scf.for %scan3A_31 = %scan3A_26 to %scan3A_28 step %scan3A_29  : i32 {
        %get3A = arith.index_cast %scan3A_31 : i32 to index
        %get3A_32 = arith.constant 32 : index
        %get3A_33 = tpu.vector_load %arg10[%get3A, %get3A_32] {strides = array<i32>} : memref<128x64xf32, #tpu.memory_space<vmem>>, vector<1x16xf32>,
        %get3A_34 = vector.shape_cast %get3A_33 : vector<1x16xf32> to vector<16xf32>
        %get3A_35 = arith.index_cast %scan3A_31 : i32 to index
        %get3A_36 = arith.constant 0 : index
        %get3A_37 = tpu.vector_load %arg11[%get3A_35, %get3A_36] {strides = array<i32>} : memref<128x32xf32, #tpu.memory_space<vmem>>, vector<1x16xf32>,
        %get3A_38 = vector.shape_cast %get3A_37 : vector<1x16xf32> to vector<16xf32>
        %add3A_39 = arith.addf %get3A_34, %get3A_38 : vector<16xf32>
        %ge3A = arith.constant 0.000000e+00 : f32
        %ge3A_40 = vector.broadcast %ge3A : f32 to vector<16xf32>
        %ge3A_41 = arith.cmpf oge, %add3A_39, %ge3A_40 : vector<16xf32>
        %mul3A_42 = arith.constant 2.000000e-01 : f32
        %mul3A_43 = vector.broadcast %mul3A_42 : f32 to vector<16xf32>
        %mul3A_44 = arith.mulf %add3A_39, %mul3A_43 : vector<16xf32>
        %select_n3A = arith.select %ge3A_41, %add3A_39, %mul3A_44 : vector<16xi1>, vector<16xf32>
        %exp3A = math.exp %select_n3A : vector<16xf32>
        %get3A_45 = arith.index_cast %scan3A_31 : i32 to index
        %get3A_46 = arith.constant 0 : index
        %get3A_47 = tpu.vector_load %arg10[%get3A_45, %get3A_46] {strides = array<i32>} : memref<128x64xf32, #tpu.memory_space<vmem>>, vector<1x16xf32>,
        %get3A_48 = vector.shape_cast %get3A_47 : vector<1x16xf32> to vector<16xf32>
        %mul3A_49 = arith.mulf %get3A_48, %exp3A : vector<16xf32>
        %swap3A = arith.index_cast %scan3A_31 : i32 to index
        %swap3A_50 = arith.constant 0 : index
        %swap3A_51 = tpu.vector_load %arg12[%swap3A, %swap3A_50] {strides = array<i32>} : memref<128x64xf32, #tpu.memory_space<vmem>>, vector<1x16xf32>,
        %swap3A_52 = vector.shape_cast %swap3A_51 : vector<1x16xf32> to vector<16xf32>
        %swap3A_53 = vector.shape_cast %mul3A_49 : vector<16xf32> to vector<1x16xf32>
        tpu.vector_store %arg12[%swap3A, %swap3A_50], %swap3A_53 {strides = array<i32>} : memref<128x64xf32, #tpu.memory_space<vmem>>, vector<1x16xf32>,
        %swap3A_54 = arith.index_cast %scan3A_31 : i32 to index
        %swap3A_55 = arith.constant 32 : index
        %swap3A_56 = tpu.vector_load %arg12[%swap3A_54, %swap3A_55] {strides = array<i32>} : memref<128x64xf32, #tpu.memory_space<vmem>>, vector<1x16xf32>,
        %swap3A_57 = vector.shape_cast %swap3A_56 : vector<1x16xf32> to vector<16xf32>
        %swap3A_58 = vector.shape_cast %exp3A : vector<16xf32> to vector<1x16xf32>
        tpu.vector_store %arg12[%swap3A_54, %swap3A_55], %swap3A_58 {strides = array<i32>} : memref<128x64xf32, #tpu.memory_space<vmem>>, vector<1x16xf32>,
        %get3A_59 = arith.index_cast %scan3A_31 : i32 to index
        %get3A_60 = arith.constant 48 : index
        %get3A_61 = tpu.vector_load %arg10[%get3A_59, %get3A_60] {strides = array<i32>} : memref<128x64xf32, #tpu.memory_space<vmem>>, vector<1x16xf32>,
        %get3A_62 = vector.shape_cast %get3A_61 : vector<1x16xf32> to vector<16xf32>
        %get3A_63 = arith.index_cast %scan3A_31 : i32 to index
        %get3A_64 = arith.constant 16 : index
        %get3A_65 = tpu.vector_load %arg11[%get3A_63, %get3A_64] {strides = array<i32>} : memref<128x32xf32, #tpu.memory_space<vmem>>, vector<1x16xf32>,
        %get3A_66 = vector.shape_cast %get3A_65 : vector<1x16xf32> to vector<16xf32>
        %add3A_67 = arith.addf %get3A_62, %get3A_66 : vector<16xf32>
        %ge3A_68 = arith.constant 0.000000e+00 : f32
        %ge3A_69 = vector.broadcast %ge3A_68 : f32 to vector<16xf32>
        %ge3A_70 = arith.cmpf oge, %add3A_67, %ge3A_69 : vector<16xf32>
        %mul3A_71 = arith.constant 2.000000e-01 : f32
        %mul3A_72 = vector.broadcast %mul3A_71 : f32 to vector<16xf32>
        %mul3A_73 = arith.mulf %add3A_67, %mul3A_72 : vector<16xf32>
        %select_n3A_74 = arith.select %ge3A_70, %add3A_67, %mul3A_73 : vector<16xi1>, vector<16xf32>
        %exp3A_75 = math.exp %select_n3A_74 : vector<16xf32>
        %get3A_76 = arith.index_cast %scan3A_31 : i32 to index
        %get3A_77 = arith.constant 16 : index
        %get3A_78 = tpu.vector_load %arg10[%get3A_76, %get3A_77] {strides = array<i32>} : memref<128x64xf32, #tpu.memory_space<vmem>>, vector<1x16xf32>,
        %get3A_79 = vector.shape_cast %get3A_78 : vector<1x16xf32> to vector<16xf32>
        %mul3A_80 = arith.mulf %get3A_79, %exp3A_75 : vector<16xf32>
        %swap3A_81 = arith.index_cast %scan3A_31 : i32 to index
        %swap3A_82 = arith.constant 16 : index
        %swap3A_83 = tpu.vector_load %arg12[%swap3A_81, %swap3A_82] {strides = array<i32>} : memref<128x64xf32, #tpu.memory_space<vmem>>, vector<1x16xf32>,
        %swap3A_84 = vector.shape_cast %swap3A_83 : vector<1x16xf32> to vector<16xf32>
        %swap3A_85 = vector.shape_cast %mul3A_80 : vector<16xf32> to vector<1x16xf32>
        tpu.vector_store %arg12[%swap3A_81, %swap3A_82], %swap3A_85 {strides = array<i32>} : memref<128x64xf32, #tpu.memory_space<vmem>>, vector<1x16xf32>,
        %swap3A_86 = arith.index_cast %scan3A_31 : i32 to index
        %swap3A_87 = arith.constant 48 : index
        %swap3A_88 = tpu.vector_load %arg12[%swap3A_86, %swap3A_87] {strides = array<i32>} : memref<128x64xf32, #tpu.memory_space<vmem>>, vector<1x16xf32>,
        %swap3A_89 = vector.shape_cast %swap3A_88 : vector<1x16xf32> to vector<16xf32>
        %swap3A_90 = vector.shape_cast %exp3A_75 : vector<16xf32> to vector<1x16xf32>
        tpu.vector_store %arg12[%swap3A_86, %swap3A_87], %swap3A_90 {strides = array<i32>} : memref<128x64xf32, #tpu.memory_space<vmem>>, vector<1x16xf32>,
      }
      %scan3A_30 = arith.constant 128 : i32
      "tpu.region"() ({
        %run_scoped3A = tpu.sem_alloc : memref<!tpu.dma_semaphore, #tpu.memory_space<semaphore_mem>>
        %dma_start3A_31 = arith.constant 0 : i32
        %dma_start3A_32 = arith.constant 0 : i32
        %dma_start3A_33 = tpu.memref_slice %arg14[%dma_start3A_31, %dma_start3A_32] : memref<10240x64xf32, #tpu.memory_space<vmem_shared>> -> memref<10240x64xf32, #tpu.memory_space<vmem_shared>>
        tpu.enqueue_indirect_dma source(%arg12 : memref<128x64xf32, #tpu.memory_space<vmem>>) target(%dma_start3A_33 : memref<10240x64xf32, #tpu.memory_space<vmem_shared>>) offsets(%arg9 : memref<128xi32, #tpu.memory_space<vmem>>) semaphore(%run_scoped3A : memref<!tpu.dma_semaphore, #tpu.memory_space<semaphore_mem>>) {add = true}
        %dma_wait3A_34 = arith.constant 0 : i32
        %dma_wait3A_35 = arith.constant 0 : i32
        %dma_wait3A_36 = tpu.memref_slice %arg14[%dma_wait3A_34, %dma_wait3A_35] : memref<10240x64xf32, #tpu.memory_space<vmem_shared>> -> memref<10240x64xf32, #tpu.memory_space<vmem_shared>>
        tpu.wait_indirect_dma semaphore(%run_scoped3A : memref<!tpu.dma_semaphore, #tpu.memory_space<semaphore_mem>>) src(%arg12 : memref<128x64xf32, #tpu.memory_space<vmem>>) dst(%dma_wait3A_36 : memref<10240x64xf32, #tpu.memory_space<vmem_shared>>)
        tpu.yield
      }) : () -> ()
    }
    %scan3A_7 = arith.constant 81 : i32
    %barrier3A_8 = arith.constant 0 : index
    tpu.barrier barrier_id(%barrier3A_8)
    "tpu.region"() ({
      %run_scoped3A = tpu.sem_alloc : memref<!tpu.dma_semaphore, #tpu.memory_space<semaphore_mem>>
      %dma_start3A = arith.constant 0 : i32
      %dma_start3A_9 = tpu.memref_slice %arg14[%mul3A_2, %dma_start3A] : memref<10240x64xf32, #tpu.memory_space<vmem_shared>> -> memref<640x64xf32, #tpu.memory_space<vmem_shared>>
      %dma_start3A_10 = arith.constant 0 : i32
      %dma_start3A_11 = tpu.memref_slice %arg14[%mul3A_2, %dma_start3A_10] : memref<10240x64xf32, #tpu.memory_space<vmem_shared>> -> memref<640x64xf32, #tpu.memory_space<vmem_shared>>
      tpu.enqueue_dma source(%dma_start3A_11 : memref<640x64xf32, #tpu.memory_space<vmem_shared>>) target(%arg13 : memref<640x64xf32, #tpu.memory_space<vmem>>) target_semaphore(%run_scoped3A : memref<!tpu.dma_semaphore, #tpu.memory_space<semaphore_mem>>)
      %dma_wait3A = arith.constant 0 : i32
      %dma_wait3A_12 = tpu.memref_slice %arg14[%mul3A_2, %dma_wait3A] : memref<10240x64xf32, #tpu.memory_space<vmem_shared>> -> memref<640x64xf32, #tpu.memory_space<vmem_shared>>
      %dma_wait3A_13 = arith.constant 0 : i32
      %dma_wait3A_14 = tpu.memref_slice %arg14[%mul3A_2, %dma_wait3A_13] : memref<10240x64xf32, #tpu.memory_space<vmem_shared>> -> memref<640x64xf32, #tpu.memory_space<vmem_shared>>
      tpu.wait_dma2 semaphore(%run_scoped3A : memref<!tpu.dma_semaphore, #tpu.memory_space<semaphore_mem>>) src(%dma_wait3A_14 : memref<640x64xf32, #tpu.memory_space<vmem_shared>>) dst(%arg13 : memref<640x64xf32, #tpu.memory_space<vmem>>)
      tpu.yield
    }) : () -> ()
    "tpu.region"() ({
      %run_scoped3A = tpu.sem_alloc : memref<!tpu.dma_semaphore, #tpu.memory_space<semaphore_mem>>
      %dma_start3A = arith.constant 0 : i32
      %dma_start3A_9 = tpu.memref_slice %arg7[%arg0, %mul3A_2, %dma_start3A] : memref<2x10240x64xf32, #tpu.memory_space<hbm>> -> memref<1x640x64xf32, #tpu.memory_space<hbm>>
      %dma_start3A_10 = tpu.memref_squeeze %dma_start3A_9 : memref<1x640x64xf32, #tpu.memory_space<hbm>> -> memref<640x64xf32, #tpu.memory_space<hbm>>
      %dma_start3A_11 = arith.constant 0 : i32
      %dma_start3A_12 = tpu.memref_slice %arg7[%arg0, %mul3A_2, %dma_start3A_11] : memref<2x10240x64xf32, #tpu.memory_space<hbm>> -> memref<1x640x64xf32, #tpu.memory_space<hbm>>
      %dma_start3A_13 = tpu.memref_squeeze %dma_start3A_12 : memref<1x640x64xf32, #tpu.memory_space<hbm>> -> memref<640x64xf32, #tpu.memory_space<hbm>>
      tpu.enqueue_dma source(%arg13 : memref<640x64xf32, #tpu.memory_space<vmem>>) target(%dma_start3A_13 : memref<640x64xf32, #tpu.memory_space<hbm>>) target_semaphore(%run_scoped3A : memref<!tpu.dma_semaphore, #tpu.memory_space<semaphore_mem>>)
      %dma_wait3A = arith.constant 0 : i32
      %dma_wait3A_14 = tpu.memref_slice %arg7[%arg0, %mul3A_2, %dma_wait3A] : memref<2x10240x64xf32, #tpu.memory_space<hbm>> -> memref<1x640x64xf32, #tpu.memory_space<hbm>>
      %dma_wait3A_15 = tpu.memref_squeeze %dma_wait3A_14 : memref<1x640x64xf32, #tpu.memory_space<hbm>> -> memref<640x64xf32, #tpu.memory_space<hbm>>
      %dma_wait3A_16 = arith.constant 0 : i32
      %dma_wait3A_17 = tpu.memref_slice %arg7[%arg0, %mul3A_2, %dma_wait3A_16] : memref<2x10240x64xf32, #tpu.memory_space<hbm>> -> memref<1x640x64xf32, #tpu.memory_space<hbm>>
      %dma_wait3A_18 = tpu.memref_squeeze %dma_wait3A_17 : memref<1x640x64xf32, #tpu.memory_space<hbm>> -> memref<640x64xf32, #tpu.memory_space<hbm>>
      tpu.wait_dma2 semaphore(%run_scoped3A : memref<!tpu.dma_semaphore, #tpu.memory_space<semaphore_mem>>) src(%arg13 : memref<640x64xf32, #tpu.memory_space<vmem>>) dst(%dma_wait3A_18 : memref<640x64xf32, #tpu.memory_space<hbm>>)
      tpu.yield
    }) : () -> ()
    return
  }
}

module attributes {stable_mosaic.version = 14 : i64} {
  func.func @_mm_body(%arg0: i32, %arg1: memref<640x128xf32, #tpu.memory_space<vmem>>, %arg2: memref<128x32xf32, #tpu.memory_space<vmem>>, %arg3: memref<32x32xf32, #tpu.memory_space<vmem>>, %arg4: memref<32x32xf32, #tpu.memory_space<vmem>>, %arg5: memref<640x64xf32, #tpu.memory_space<vmem>>, %arg6: memref<640x32xf32, #tpu.memory_space<vmem>>) attributes {dimension_semantics = [#tpu.dimension_semantics<arbitrary>], iteration_bounds = array<i64: 16>, scalar_prefetch = 0 : i64, scratch_operands = 0 : i64, tpu.core_type = #tpu.core_type<tc>, window_params = [{transform_indices = @transform_0, window_bounds = array<i64: 640, 128>}, {pipeline_mode = #tpu.pipeline_mode<synchronous>, transform_indices = @transform_1, window_bounds = array<i64: 128, 32>}, {pipeline_mode = #tpu.pipeline_mode<synchronous>, transform_indices = @transform_2, window_bounds = array<i64: 32, 32>}, {pipeline_mode = #tpu.pipeline_mode<synchronous>, transform_indices = @transform_3, window_bounds = array<i64: 32, 32>}, {transform_indices = @transform_4, window_bounds = array<i64: 640, 64>}, {transform_indices = @transform_5, window_bounds = array<i64: 640, 32>}]} {
    %get3A = arith.constant 0 : index
    %get3A_0 = arith.constant 0 : index
    %get3A_1 = vector.load %arg1[%get3A, %get3A_0] : memref<640x128xf32, #tpu.memory_space<vmem>>, vector<640x128xf32>
    %get3A_2 = arith.constant 0 : index
    %get3A_3 = arith.constant 0 : index
    %get3A_4 = vector.load %arg2[%get3A_2, %get3A_3] : memref<128x32xf32, #tpu.memory_space<vmem>>, vector<128x32xf32>
    %dot_general3A = arith.constant dense<0.000000e+00> : vector<640x32xf32>
    %dot_general3A_5 = tpu.matmul %get3A_1, %get3A_4, %dot_general3A {dimension_numbers = #tpu.dot_dimension_numbers<[1], [0], [0], [1], [0, 0, 1, 1], [], []>, transpose_lhs_hint = false} : vector<640x128xf32>, vector<128x32xf32>, vector<640x32xf32> -> vector<640x32xf32>
    %get3A_6 = arith.constant 0 : index
    %get3A_7 = arith.constant 0 : index
    %get3A_8 = vector.load %arg3[%get3A_6, %get3A_7] : memref<32x32xf32, #tpu.memory_space<vmem>>, vector<32x32xf32>
    %dot_general3A_9 = arith.constant dense<0.000000e+00> : vector<640x32xf32>
    %dot_general3A_10 = tpu.matmul %dot_general3A_5, %get3A_8, %dot_general3A_9 {dimension_numbers = #tpu.dot_dimension_numbers<[1], [0], [0], [1], [0, 0, 1, 1], [], []>, transpose_lhs_hint = false} : vector<640x32xf32>, vector<32x32xf32>, vector<640x32xf32> -> vector<640x32xf32>
    %get3A_11 = arith.constant 0 : index
    %get3A_12 = arith.constant 0 : index
    %get3A_13 = vector.load %arg4[%get3A_11, %get3A_12] : memref<32x32xf32, #tpu.memory_space<vmem>>, vector<32x32xf32>
    %dot_general3A_14 = arith.constant dense<0.000000e+00> : vector<640x32xf32>
    %dot_general3A_15 = tpu.matmul %dot_general3A_5, %get3A_13, %dot_general3A_14 {dimension_numbers = #tpu.dot_dimension_numbers<[1], [0], [0], [1], [0, 0, 1, 1], [], []>, transpose_lhs_hint = false} : vector<640x32xf32>, vector<32x32xf32>, vector<640x32xf32> -> vector<640x32xf32>
    %concatenate3A = tpu.concatenate %dot_general3A_5, %dot_general3A_10 in 1 : vector<640x32xf32>, vector<640x32xf32> -> vector<640x64xf32>
    %swap3A = arith.constant 0 : index
    %swap3A_16 = arith.constant 0 : index
    %swap3A_17 = vector.load %arg5[%swap3A, %swap3A_16] : memref<640x64xf32, #tpu.memory_space<vmem>>, vector<640x64xf32>
    tpu.vector_store %arg5[%swap3A, %swap3A_16], %concatenate3A {strides = array<i32>} : memref<640x64xf32, #tpu.memory_space<vmem>>, vector<640x64xf32>,
    %swap3A_18 = arith.constant 0 : index
    %swap3A_19 = arith.constant 0 : index
    %swap3A_20 = vector.load %arg6[%swap3A_18, %swap3A_19] : memref<640x32xf32, #tpu.memory_space<vmem>>, vector<640x32xf32>
    tpu.vector_store %arg6[%swap3A_18, %swap3A_19], %dot_general3A_15 {strides = array<i32>} : memref<640x32xf32, #tpu.memory_space<vmem>>, vector<640x32xf32>,
    return
  }
  func.func @transform_0(%arg0: i32) -> (i32, i32) {
    %c0_i32 = arith.constant 0 : i32
    %c0_i32_0 = arith.constant 0 : i32
    return %arg0, %c0_i32 : i32, i32
  }
  func.func @transform_1(%arg0: i32) -> (i32, i32) {
    %c0_i32 = arith.constant 0 : i32
    %c0_i32_0 = arith.constant 0 : i32
    %c0_i32_1 = arith.constant 0 : i32
    return %c0_i32, %c0_i32_0 : i32, i32
  }
  func.func @transform_2(%arg0: i32) -> (i32, i32) {
    %c0_i32 = arith.constant 0 : i32
    %c0_i32_0 = arith.constant 0 : i32
    %c0_i32_1 = arith.constant 0 : i32
    return %c0_i32, %c0_i32_0 : i32, i32
  }
  func.func @transform_3(%arg0: i32) -> (i32, i32) {
    %c0_i32 = arith.constant 0 : i32
    %c0_i32_0 = arith.constant 0 : i32
    %c0_i32_1 = arith.constant 0 : i32
    return %c0_i32, %c0_i32_0 : i32, i32
  }
  func.func @transform_4(%arg0: i32) -> (i32, i32) {
    %c0_i32 = arith.constant 0 : i32
    %c0_i32_0 = arith.constant 0 : i32
    return %arg0, %c0_i32 : i32, i32
  }
  func.func @transform_5(%arg0: i32) -> (i32, i32) {
    %c0_i32 = arith.constant 0 : i32
    %c0_i32_0 = arith.constant 0 : i32
    return %arg0, %c0_i32 : i32, i32
  }
}

module attributes {stable_mosaic.version = 14 : i64} {
  func.func @_fin_body(%arg0: i32, %arg1: memref<2x640x64xf32, #tpu.memory_space<vmem>>, %arg2: memref<1x32xf32, #tpu.memory_space<vmem>>, %arg3: memref<640x32xf32, #tpu.memory_space<vmem>>) attributes {dimension_semantics = [#tpu.dimension_semantics<arbitrary>], iteration_bounds = array<i64: 16>, scalar_prefetch = 0 : i64, scratch_operands = 0 : i64, tpu.core_type = #tpu.core_type<tc>, window_params = [{transform_indices = @transform_0, window_bounds = array<i64: 2, 640, 64>}, {pipeline_mode = #tpu.pipeline_mode<synchronous>, transform_indices = @transform_1, window_bounds = array<i64: 1, 32>}, {transform_indices = @transform_2, window_bounds = array<i64: 640, 32>}]} {
    %get3A = arith.constant 0 : index
    %get3A_0 = arith.constant 0 : index
    %get3A_1 = arith.constant 0 : index
    %get3A_2 = vector.load %arg1[%get3A, %get3A_0, %get3A_1] : memref<2x640x64xf32, #tpu.memory_space<vmem>>, vector<1x640x64xf32>
    %get3A_3 = vector.shape_cast %get3A_2 : vector<1x640x64xf32> to vector<640x64xf32>
    %get3A_4 = arith.constant 1 : index
    %get3A_5 = arith.constant 0 : index
    %get3A_6 = arith.constant 0 : index
    %get3A_7 = vector.load %arg1[%get3A_4, %get3A_5, %get3A_6] : memref<2x640x64xf32, #tpu.memory_space<vmem>>, vector<1x640x64xf32>
    %get3A_8 = vector.shape_cast %get3A_7 : vector<1x640x64xf32> to vector<640x64xf32>
    %add3A = arith.addf %get3A_3, %get3A_8 : vector<640x64xf32>
    %slice3A = vector.extract_strided_slice %add3A {offsets = [0, 0], sizes = [640, 32], strides = [1, 1]} : vector<640x64xf32> to vector<640x32xf32>
    %slice3A_9 = vector.extract_strided_slice %add3A {offsets = [0, 32], sizes = [640, 32], strides = [1, 1]} : vector<640x64xf32> to vector<640x32xf32>
    %div3A = arith.divf %slice3A, %slice3A_9 : vector<640x32xf32>
    %get3A_10 = arith.constant 0 : index
    %get3A_11 = arith.constant 0 : index
    %get3A_12 = vector.load %arg2[%get3A_10, %get3A_11] : memref<1x32xf32, #tpu.memory_space<vmem>>, vector<1x32xf32>
    %add3A_13 = vector.broadcast %get3A_12 : vector<1x32xf32> to vector<640x32xf32>
    %add3A_14 = arith.addf %div3A, %add3A_13 : vector<640x32xf32>
    %swap3A = arith.constant 0 : index
    %swap3A_15 = arith.constant 0 : index
    %swap3A_16 = vector.load %arg3[%swap3A, %swap3A_15] : memref<640x32xf32, #tpu.memory_space<vmem>>, vector<640x32xf32>
    tpu.vector_store %arg3[%swap3A, %swap3A_15], %add3A_14 {strides = array<i32>} : memref<640x32xf32, #tpu.memory_space<vmem>>, vector<640x32xf32>,
    return
  }
  func.func @transform_0(%arg0: i32) -> (i32, i32, i32) {
    %c0_i32 = arith.constant 0 : i32
    %c0_i32_0 = arith.constant 0 : i32
    %c0_i32_1 = arith.constant 0 : i32
    return %c0_i32, %arg0, %c0_i32_0 : i32, i32, i32
  }
  func.func @transform_1(%arg0: i32) -> (i32, i32) {
    %c0_i32 = arith.constant 0 : i32
    %c0_i32_0 = arith.constant 0 : i32
    %c0_i32_1 = arith.constant 0 : i32
    return %c0_i32, %c0_i32_0 : i32, i32
  }
  func.func @transform_2(%arg0: i32) -> (i32, i32) {
    %c0_i32 = arith.constant 0 : i32
    %c0_i32_0 = arith.constant 0 : i32
    return %arg0, %c0_i32 : i32, i32
  }
}

</mosaic_0001>

<sc_bundles>
// kernel: kernel.5.cloned.1.call-start
scs
__scs_entry_jumppad:
0x0: {  	(pc) =	sbr.rel $0x88, $3  }
0x1: {  	(tag) =	ssettag $0x0;
	lr =	simm.s32 $0x1  }
0x2: {  	[smem:$0x3F9B] =	sst lr;
	_ =	strace $0xD0000000  }
0x3: {  	_ = 	snop  }
0x4: {  	_ = 	snop  }
0x5: {  	_ = 	snop  }
0x6: {  	_ = 	snop  }
0x7: {  	_ = 	snop  }
__scs_overlays_trampoline_lowered:
0x8: {  	[smem:$0x3FAA] =	sst s0  }
0x9: {  	[smem:$0x3FAB] =	sst s1  }
0xa: {  	[smem:$0x3FAC] =	sst s2  }
0xb: {  	[smem:$0x3FAD] =	sst s3  }
0xc: {  	[smem:$0x3FAE] =	sst s4  }
0xd: {  	[smem:$0x3FAF] =	sst s5  }
0xe: {  	[smem:$0x3FB0] =	sst s6  }
0xf: {  	[smem:$0x3FB1] =	sst s7  }
0x10: {  	[smem:$0x3FB2] =	sst s8  }
0x11: {  	[smem:$0x3FB3] =	sst s9;
	s0 =	simm.s32 @!p0 $0x0  }
0x12: {  	s1 =	sld [smem:$0x3F99];
	s0 =	simm.s32 @p0 $0x1  }
0x13: {  	[smem:$0x3FB4] =	sst s0;
	s0 =	simm.s32 @!p1 $0x0  }
0x14: {  	s2 =	sld [smem:$0x3F98];
	s0 =	simm.s32 @p1 $0x1  }
0x15: {  	[smem:$0x3FB5] =	sst s0;
	s0 =	simm.s32 @!p2 $0x0  }
0x16: {  	s3 =	sld [smem:$0x3FDB];
	s0 =	simm.s32 @p2 $0x1  }
0x17: {  	s4 =	simm.s32 $0x1BF5;
	[smem:$0x3FB7] =	sst s0  }
0x18: {  	s0 =	sld [smem:$0x3F9A];
	_ =	swait.ge [sflag:s4], $0x0  }
0x19: {  	s7 =	sld [smem:$0x3F9B]  }
0x1a: {  	s8 =	sadd.s32 $0xFFFFE003, lr  }
0x1b: {  	s9 =	sadd.s32 $0xFFFFFEF7, lr;
	s5 =	simm.s32 $0xFFFFFFFF;
	p2 =	slt.u32 s8, $0xFFFFF086  }
0x1c: {  	p1 =	slt.u32 s9, $0xF7A;
	s5 =	simm.s32 @!p2 $0x0  }
0x1d: {  	s5 =	simm.s32 @p1 $0x1;
	p0 =	seq.s32 s7, s2  }
0x1e: {  	s7 =	smul.u32 @!p0 $0xF7A, s2;
	p2 =	seq.s32 @!p0 s5, $0x0  }
0x1f: {  	s9 =	smul.u32 $0xF7A, s1;
	s8 =	simm.s32 @!p0 $0x1BF5;
	p2 =	por !p2, p0  }
0x20: {  	[sflag:s8] =	ssyncset.s32 @!p0 $0xFFFFF086;
	s6 =	sadd.s32 @!p0 s3, s7;
	s7 =	simm.s32 @!p0 $0x108  }
0x21: {  	s3 =	sadd.s32 s3, s9;
	s6 =	sadd.s32 @!p0 $0x88, s6;
	s7 =	simm.s32 @p2 $0x1082  }
0x22: {  	[simem:s7], [sflag:s8] =	dma.local @!p0 [hbm:s6], $0xF7A  }
0x23: {  	s9 =	sor.u32 $0xD0000000, s2;
	s6 =	simm.s32 $0x108;
	_ =	swait.ge @!p0 [sflag:s8], $0x0  }
0x24: {  	s3 =	sadd.s32 $0x88, s3;
	s6 =	simm.s32 @!p1 $0x1082;
	[sflag:s4] =	ssyncset.s32 $0xFFFFF086  }
0x25: {  	[simem:s6], [sflag:s4] =	dma.local [hbm:s3], $0xF7A  }
0x26: {  	[smem:$0x3F9B] =	sst s1;
	(tag) =	ssettag s2;
	_ =	strace s9  }
0x27: {  	s1 =	sld [smem:$0x3FAB]  }
0x28: {  	s2 =	sld [smem:$0x3FAC]  }
0x29: {  	s4 =	sld [smem:$0x3FAE]  }
0x2a: {  	p0 =	seq.s32 s5, $0x0;
	s5 =	sld [smem:$0x3FAF]  }
0x2b: {  	s6 =	sld [smem:$0x3FB0]  }
0x2c: {  	s7 =	sld [smem:$0x3FB1]  }
0x2d: {  	s3 =	simm.s32 $0x108;
	s8 =	sld [smem:$0x3FB2]  }
0x2e: {  	s3 =	simm.s32 @!p0 $0x1082;
	s9 =	sld [smem:$0x3FB3]  }
0x2f: {  	lr =	sadd.s32 s0, s3;
	s0 =	sld [smem:$0x3FAA]  }
0x30: {  	s3 =	sld [smem:$0x3FAD]  }
0x31: {  	[smem:$0x3FB6] =	sst s10  }
0x32: {  	s10 =	sld [smem:$0x3FB4];
	_ =	sdelay $0x3  }
0x33: {  	p0 =	seq.s32 s10, $0x1;
	s10 =	sld [smem:$0x3FB6];
	_ =	sdelay $0x3  }
0x34: {  	[smem:$0x3FB6] =	sst s10  }
0x35: {  	s10 =	sld [smem:$0x3FB5];
	_ =	sdelay $0x3  }
0x36: {  	p1 =	seq.s32 s10, $0x1;
	s10 =	sld [smem:$0x3FB6];
	_ =	sdelay $0x3  }
0x37: {  	[smem:$0x3FB6] =	sst s10  }
0x38: {  	s10 =	sld [smem:$0x3FB7]  }
0x39: {  	_ = 	snop;
	(pc) =	sbr.ind lr, $3  }
0x3a: {  	_ = 	snop  }
0x3b: {  	_ = 	snop  }
0x3c: {  	p2 =	seq.s32 s10, $0x1;
	s10 =	sld [smem:$0x3FB6]  }
0x3d: {  	_ =	shalt  }
0x3e: {  	_ =	shalt  }
0x3f: {  	_ =	shalt  }
0x40: {  	_ =	shalt  }
0x41: {  	_ =	shalt  }
0x42: {  	_ =	shalt  }
0x43: {  	_ =	shalt  }
0x44: {  	_ =	shalt  }
0x45: {  	_ =	shalt  }
0x46: {  	_ =	shalt  }
0x47: {  	_ =	shalt  }
0x48: {  	_ =	shalt  }
0x49: {  	_ =	shalt  }
0x4a: {  	_ =	shalt  }
0x4b: {  	_ =	shalt  }
0x4c: {  	_ =	shalt  }
0x4d: {  	_ =	shalt  }
0x4e: {  	_ =	shalt  }
0x4f: {  	_ =	shalt  }
0x50: {  	_ =	shalt  }
0x51: {  	_ =	shalt  }
0x52: {  	_ =	shalt  }
0x53: {  	_ =	shalt  }
0x54: {  	_ =	shalt  }
0x55: {  	_ =	shalt  }
0x56: {  	_ =	shalt  }
0x57: {  	_ =	shalt  }
0x58: {  	_ =	shalt  }
0x59: {  	_ =	shalt  }
0x5a: {  	_ =	shalt  }
0x5b: {  	_ =	shalt  }
0x5c: {  	_ =	shalt  }
0x5d: {  	_ =	shalt  }
0x5e: {  	_ =	shalt  }
0x5f: {  	_ =	shalt  }
0x60: {  	_ =	shalt  }
0x61: {  	_ =	shalt  }
0x62: {  	_ =	shalt  }
0x63: {  	_ =	shalt  }
0x64: {  	_ =	shalt  }
0x65: {  	_ =	shalt  }
0x66: {  	_ =	shalt  }
0x67: {  	_ =	shalt  }
0x68: {  	_ =	shalt  }
0x69: {  	_ =	shalt  }
0x6a: {  	_ =	shalt  }
0x6b: {  	_ =	shalt  }
0x6c: {  	_ =	shalt  }
0x6d: {  	_ =	shalt  }
0x6e: {  	_ =	shalt  }
0x6f: {  	_ =	shalt  }
0x70: {  	_ =	shalt  }
0x71: {  	_ =	shalt  }
0x72: {  	_ =	shalt  }
0x73: {  	_ =	shalt  }
0x74: {  	_ =	shalt  }
0x75: {  	_ =	shalt  }
0x76: {  	_ =	shalt  }
0x77: {  	_ =	shalt  }
0x78: {  	_ =	shalt  }
0x79: {  	_ =	shalt  }
0x7a: {  	_ =	shalt  }
0x7b: {  	_ =	shalt  }
0x7c: {  	_ =	shalt  }
0x7d: {  	_ =	shalt  }
0x7e: {  	_ =	shalt  }
0x7f: {  	_ =	shalt  }
0x80: {  	_ =	shalt  }
0x81: {  	_ =	shalt  }
0x82: {  	_ =	shalt  }
0x83: {  	_ =	shalt  }
0x84: {  	_ =	shalt  }
0x85: {  	_ =	shalt  }
0x86: {  	_ =	shalt  }
0x87: {  	_ =	shalt  }
.Lfunc_end0:
.L_simem_size_0:
called_computation_lowered:
.L_overlay_start_0:
0x88: {  	s2 =	sld [smem:$0x3FD9]  }
0x89: {  	s3 =	sld [smem:$0x3FFE];
	_ =	sdelay $0x1  }
0x8a: {  	s1 =	srdreg.scid  }
0x8b: {  	s0 =	sand.u32 $0x1, s1  }
0x8c: {  	s16 =	sshll.u32 s0, $0xA;
	s2 =	sadd.s32 s3, s2  }
0x8d: {  	s2 =	sadd.s32 s2, s16  }
0x8e: {  	[smem:$0x3FC2] =	sst s2  }
0x8f: {  	_ = 	snop  }
0x90: {  	(tm) =	ssettm $0x1  }
0x91: {  	s17 =	sld [smem:$0x3FFB];
	_ =	sdelay $0x3  }
0x92: {  	_ =	strace s17  }
0x93: {  	s2 =	sld [smem:$0x3FFC];
	_ =	sdelay $0x3  }
0x94: {  	_ =	strace s2  }
0x95: {  	s2 =	sld [smem:$0x3FFD];
	_ =	sdelay $0x3  }
0x96: {  	_ =	strace s2  }
0x97: {  	_ =	strace $0x8FFFFFFF  }
0x98: {  	s18 =	sld [smem:$0x3FDB];
	_ =	sdelay $0x1  }
0x99: {  	s19 =	simm.s32 $_scs_section_size  }
0x9a: {  	s4 =	simm.s32 $_size__tile_overlayer_lowered;
	s5 =	simm.s32 $_tile_overlayer_lowered  }
0x9b: {  	s22 =	simm.s32 $0x1BFF;
	s21 =	sshll.u32 s5, $0x1;
	s2 =	sadd.s32 s19, s18  }
0x9c: {  	s6 =	simm.s32 $0x0;
	s20 =	sshll.u32 s4, $0x1;
	s4 =	sadd.s32 s21, s2  }
0x9d: {  	[timem:s6], [sflag:s22] =	dma.local [hbm:s4], s20  }
0x9e: {  	_ =	swait.ge [sflag:s22], s20  }
0x9f: {  	s3 =	ssub.s32 $0x0, s20;
	[sflag:s22] =	ssyncset.done $0x0  }
0xa0: {  	[sflag:s22] =	ssyncadd.s32 s3;
	_ =	sdelay $0x1  }
0xa1: {  	s23 =	simm.s32 $0x1B8B  }
0xa2: {  	_ =	swait.ge [sflag:s23], $0x1  }
0xa3: {  	[sflag:s23] =	ssyncset.done $0x0  }
0xa4: {  	s25 =	simm.s32 $0x1B8E;
	s24 =	sld [smem:$0x3FFE];
	[sflag:s23] =	ssyncadd.s32 $0xFFFFFFFF  }
0xa5: {  	s26 =	simm.s32 $execute0_lowered;
	[smem:$0x3FD2] =	sst s25  }
0xa6: {  	s4 =	sshll.u32 s26, $0x1;
	_ =	strace $0x80000046;
	[dreg:$0x1] =	wrdreg $0xFFFFFFFF  }
0xa7: {  	s28 =	simm.s32 $_size_execute0_lowered;
	s2 =	sadd.s32 s2, s4;
	[dreg:$0x0] =	wrdreg $0x0  }
0xa8: {  	s4 =	sshll.u32 s28, $0x1;
	[dreg:$0x2] =	wrdreg s2  }
0xa9: {  	[dreg:$0x3] =	wrdreg s4  }
0xaa: {  	[dreg:$0x4] =	wrdreg $0xC0  }
0xab: {  	_ =	task [dreg:s6], $0x5FFFF  }
0xac: {  	[dreg:$0x1] =	wrdreg $0xFFFFFFFF  }
0xad: {  	[dreg:$0x0] =	wrdreg $0x60  }
0xae: {  	[dreg:$0x2] =	wrdreg s24  }
0xaf: {  	[dreg:$0x3] =	wrdreg $0xF1000  }
0xb0: {  	[dreg:$0x4] =	wrdreg $0x9  }
0xb1: {  	_ =	task.clear_ibuf [dreg:s6], $0x5FFFF;
	_ =	strace $0x90000046  }
0xb2: {  	s29 =	simm.s32 $0x9;
	_ =	strace $0x80000048  }
0xb3: {  	_ =	swait.ge [sflag:s29], $0x1  }
0xb4: {  	[sflag:s29] =	ssyncadd.s32 $0xFFFFFFFF  }
0xb5: {  	_ =	strace $0x90000048  }
0xb6: {  	_ =	sfence  }
0xb7: {  	s30 =	sld [smem:$0x0];
	_ =	sdelay $0x2  }
0xb8: {  	s31 =	sshll.u32 s1, $0xD;
	s1 =	sshrl.u32 s1, $0x2  }
0xb9: {  	s3 =	sand.u32 $0x4000, s31;
	s1 =	sadd.s32 s1, s30  }
0xba: {  	s0 =	sor.u32 s3, s0;
	s1 =	sshll.u32 s1, $0x11  }
0xbb: {  	s0 =	sor.u32 s1, s0  }
0xbc: {  	s0 =	sadd.s32 $0x8F2B, s0  }
0xbd: {  	[sflag:s0] =	ssyncadd.remote.s32 $0x1  }
0xbe: {  	_ =	sfence.sel $0xFFFF  }
0xbf: {  	[dreg:$0x0] =	wrdreg $0xFFFFFFFF;
	(pc) =	sbr.abs _section_cstart, $3  }
0xc0: {  	[dreg:$0x1] =	wrdreg $0xFFFFFFFF  }
0xc1: {  	_ =	task.clear_ibuf [dreg:s6], $0x2FFFF;
	_ =	strace $0x9FFFFFFF  }
0xc2: {  	(tm) =	ssettm $0x7FFFFFFF  }
0xc3: {  	_ =	shalt  }
tec
execute0_lowered:
.L_overlay_start_1:
0x0: {  	(tag) =	ssettag $0x1  }
0x1: {  	s8 =	rddreg [dreg:$0x0]  }
0x2: {  	s2 =	rddreg [dreg:$0x1]  }
0x3: {  	s0 =	rddreg [dreg:$0x2]  }
0x4: {  	s3 =	simm.s32 $0x0;
	s1 =	stileid.u32;
	s4 =	srdreg.scid  }
0x5: {  	s15 =	simm.s32 $0x80;
	s16 =	simm.s32 $0x100;
	s17 =	simm.s32 $0x2100  }
0x6: {  	s18 =	simm.s32 $0x1;
	s19 =	simm.s32 $0x2;
	s20 =	simm.s32 $0x3100  }
0x7: {  	s21 =	simm.s32 $0x0;
	[smem:$0x7FF] =	sst s3;
	s9 =	smul.u32 $0xA000, s1  }
0x8: {  	s10 =	sand.u32 $0x1, s4;
	s4 =	sadd.s32 $0x1400, s8;
	s5 =	sadd.s32 $0x15400, s8  }
0x9: {  	s6 =	sadd.s32 $0x29600, s8;
	s7 =	sadd.s32 $0x1F400, s8;
	s31 =	sshll.u32 s1, $0x1  }
0xa: {  	_ =	strace $0x80000047;
	s11 =	smul.u32 $0xA0000, s10;
	s13 =	ssub.s32 $0x2, s10  }
0xb: {  	s10 =	sor.u32 s10, s31;
	s12 =	sshrl.u32 s9, $0x3;
	s14 =	sshrl.u32 s13, $0x1  }
0xc: {  	s10 =	smul.u32 $0x51, s10;
	s11 =	sadd.s32 s9, s11;
	s12 =	sadd.s32 s12, s8  }
0xd: {  	s13 =	ssub.s32 s13, s14;
	s9 =	sadd.s32 s9, s2;
	s11 =	sshrl.u32 s11, $0x3  }
0xe: {  	s14 =	simm.s32 $0x3;
	s11 =	sadd.s32 s11, s8;
	s8 =	sadd.s32 $0x33800, s12  }
0xf: {  	s12 =	smax.u32 s13, $0x1;
	s13 =	simm.s32 $0x5100;
	s11 =	sadd.s32 $0x47800, s11  }
.LBB2_1:
0x10: {  	[tilespmem:s13], [sflag:$0x3] =	stream.linear.gather [hbm4b:s8+s3], $0xA000, $0x38;
	[tilespmem:$0x19100] =	vst v63  }
0x11: {  	_ =	swait.ge [sflag:s14], $0xA000  }
0x12: {  	[sflag:s14] =	ssyncset.done $0x0  }
0x13: {  	[sflag:s14] =	ssyncadd.s32 $0xFFFF6000  }
0x14: {  	[spmem:s9] =	stream.linear.scatter [tilespmem:s13], [sflag:$0x3], $0xA000, $0x38;
	[tilespmem:$0x19100] =	vst v63  }
0x15: {  	_ =	swait.ge [sflag:s14], $0xA000  }
0x16: {  	[sflag:s14] =	ssyncset.done $0x0  }
0x17: {  	[sflag:s14] =	ssyncadd.s32 $0xFFFF6000  }
0x18: {  	s22 =	simm.s32 $0x0;
	[bflag:$0x0] =	sbarrier.arrive $0xFFFF  }
.LBB2_2:
0x19: {  	s23 =	sadd.s32 s10, s22  }
0x1a: {  	s23 =	sshll.u32 s23, $0x4  }
0x1b: {  	s25 =	simm.s32 $0x0;
	s24 =	sadd.s32 s6, s23  }
0x1c: {  	[tilespmem:s25], [sflag:$0x3] =	stream.linear.gather [hbm4b:s24+s25], $0x80, $0x38;
	[tilespmem:$0x19100] =	vst v63  }
0x1d: {  	_ =	swait.ge [sflag:s14], $0x80  }
0x1e: {  	[sflag:s14] =	ssyncset.done $0x0  }
0x1f: {  	s23 =	sadd.s32 s7, s23;
	[sflag:s14] =	ssyncadd.s32 $0xFFFFFF80  }
0x20: {  	[tilespmem:s15], [sflag:$0x3] =	stream.linear.gather [hbm4b:s23+s25], $0x80, $0x38;
	[tilespmem:$0x19100] =	vst v63  }
0x21: {  	_ =	swait.ge [sflag:s14], $0x80  }
0x22: {  	[sflag:s14] =	ssyncset.done $0x0  }
0x23: {  	[sflag:s14] =	ssyncadd.s32 $0xFFFFFF80  }
0x24: {  	[tilespmem:s16], [sflag:$0x1] =	stream.indirect.gather [hbm4b:s4+s15], $0x40, s25, s15, $0xb8;
	[tilespmem:$0x19100] =	vst v63  }
0x25: {  	_ = 	snop  }
0x26: {  	[tilespmem:s17], [sflag:$0x2] =	stream.indirect.gather [hbm4b:s5+s15], $0x20, s15, s15, $0xb8;
	[tilespmem:$0x19100] =	vst v63  }
0x27: {  	_ =	swait.ge [sflag:s18], $0x2000  }
0x28: {  	[sflag:s18] =	ssyncset.done $0x0  }
0x29: {  	[sflag:s18] =	ssyncadd.s32 $0xFFFFE000  }
0x2a: {  	_ =	swait.ge [sflag:s19], $0x1000  }
0x2b: {  	[sflag:s19] =	ssyncset.done $0x0  }
0x2c: {  	s23 =	simm.s32 $0x0;
	[sflag:s19] =	ssyncadd.s32 $0xFFFFF000  }
0x2d: {  	s24 =	simm.s32 $0x2110;
	s25 =	simm.s32 $0x100;
	v0 =	vld [tilespmem:s23+$0x120]  }
.LBB2_3:
0x2e: {  	p0 =	sne.s32 s25, $0x7F00;
	v1 =	vld [tilespmem:s24+$0xFFFFFFF0];
	_ =	sdelay $0x4  }
0x2f: {  	v0 =	vadd.f32 v1, v0;
	_ =	sdelay $0x1  }
0x30: {  	v1 =	vmul.f32 $2.000000030e-01, v0  }
0x31: {  	vm0 =	vge.f32 v0, $0.0e+00  }
0x32: {  	v0 =	vsel vm0, v0, v1  }
0x33: {  	v0 =	vmul.f32 $1.442695020e+00, v0;
	_ =	sdelay $0x1  }
0x34: {  	(erf) = vpow2.f32 v0;
	_ =	sdelay $0x4  }
0x35: {  	v0 =	vld [tilespmem:s23+$0x100];
	_ =	sdelay $0x3  }
0x36: {  	v1 =	vpop (erf)  }
0x37: {  	v0 =	vmul.f32 v1, v0;
	[tilespmem:s23+$0x3120] =	vst v1;
	_ =	sdelay $0x1  }
0x38: {  	[tilespmem:s23+$0x3100] =	vst v0;
	v0 =	vld [tilespmem:s23+$0x130]  }
0x39: {  	v1 =	vld [tilespmem:s24+$0x0];
	_ =	sdelay $0x4  }
0x3a: {  	v0 =	vadd.f32 v1, v0;
	_ =	sdelay $0x1  }
0x3b: {  	v1 =	vmul.f32 $2.000000030e-01, v0  }
0x3c: {  	vm0 =	vge.f32 v0, $0.0e+00  }
0x3d: {  	v0 =	vsel vm0, v0, v1  }
0x3e: {  	v0 =	vmul.f32 $1.442695020e+00, v0;
	_ =	sdelay $0x1  }
0x3f: {  	(erf) = vpow2.f32 v0;
	_ =	sdelay $0x4  }
0x40: {  	v0 =	vld [tilespmem:s23+$0x110];
	_ =	sdelay $0x2  }
.Ltmp0:
0x41: {  	(pc) =	sbr.rel @p0 .LBB2_3-.Ltmp0, $4  }
0x42: {  	v1 =	vpop (erf)  }
0x43: {  	v2 =	vmul.f32 v1, v0;
	[tilespmem:s23+$0x3130] =	vst v1  }
0x44: {  	s26 =	sshra.s32 s25, $0x2  }
0x45: {  	s25 =	sadd.s32 $0x100, s25;
	s24 =	sadd.s32 $0x20, s24;
	v0 =	vld [tilespmem:s26+$0x120];
	[tilespmem:s23+$0x3110] =	vst v2;
	s23 =	smov.u32 s26  }
0x46: {  	v1 =	vld [tilespmem:s24+$0xFFFFFFF0];
	_ =	sdelay $0x4  }
0x47: {  	v0 =	vadd.f32 v1, v0;
	_ =	sdelay $0x1  }
0x48: {  	v1 =	vmul.f32 $2.000000030e-01, v0  }
0x49: {  	vm0 =	vge.f32 v0, $0.0e+00  }
0x4a: {  	v0 =	vsel vm0, v0, v1  }
0x4b: {  	v0 =	vmul.f32 $1.442695020e+00, v0;
	_ =	sdelay $0x1  }
0x4c: {  	(erf) = vpow2.f32 v0;
	_ =	sdelay $0x4  }
0x4d: {  	v59 =	vld [tilespmem:s23+$0x100];
	_ =	sdelay $0x3  }
0x4e: {  	v60 =	vpop (erf)  }
0x4f: {  	v0 =	vmul.f32 v60, v59  }
0x50: {  	[tilespmem:s23+$0x3120] =	vst v60  }
0x51: {  	v61 =	vld [tilespmem:s23+$0x130];
	[tilespmem:s23+$0x3100] =	vst v0  }
0x52: {  	v1 =	vld [tilespmem:s24+$0x0];
	_ =	sdelay $0x4  }
0x53: {  	v0 =	vadd.f32 v1, v61;
	_ =	sdelay $0x1  }
0x54: {  	v1 =	vmul.f32 $2.000000030e-01, v0  }
0x55: {  	vm15 =	vge.f32 v0, $0.0e+00  }
0x56: {  	v0 =	vsel vm15, v0, v1  }
0x57: {  	v0 =	vmul.f32 $1.442695020e+00, v0;
	_ =	sdelay $0x1  }
0x58: {  	(erf) = vpow2.f32 v0;
	_ =	sdelay $0x4  }
0x59: {  	v62 =	vld [tilespmem:s23+$0x110];
	_ =	sdelay $0x3  }
0x5a: {  	v63 =	vpop (erf)  }
0x5b: {  	s22 =	sadd.s32 $0x1, s22;
	v0 =	vmul.f32 v63, v62  }
0x5c: {  	p0 =	sne.s32 s22, $0x51;
	[tilespmem:s23+$0x3130] =	vst v63  }
.Ltmp1:
0x5d: {  	[tilespmem:s23+$0x3110] =	vst v0;
	(pc) =	sbr.rel @p0 .LBB2_2-.Ltmp1, $4  }
0x5e: {  	[spmem:s2] =	stream.indirect.scatter.add.f32 [tilespmem:s20], [sflag:$0x3], $0x40, s15, s15, $0xb8;
	[tilespmem:$0x19100] =	vst v63  }
0x5f: {  	_ =	swait.ge [sflag:s14], $0x2000  }
0x60: {  	[sflag:s14] =	ssyncset.done $0x0  }
0x61: {  	[sflag:s14] =	ssyncadd.s32 $0xFFFFE000  }
0x62: {  	[bflag:$0x0] =	sbarrier.arrive $0xFFFF  }
0x63: {  	[tilespmem:s13], [sflag:$0x3] =	stream.linear.gather [spmem:s9], $0xA000, $0x38;
	[tilespmem:$0x19100] =	vst v63  }
0x64: {  	s21 =	sadd.s32 $0x1, s21;
	_ =	swait.ge [sflag:s14], $0xA000  }
0x65: {  	p0 =	sne.s32 s21, s12;
	[sflag:s14] =	ssyncset.done $0x0  }
.Ltmp2:
0x66: {  	[sflag:s14] =	ssyncadd.s32 $0xFFFF6000;
	(pc) =	sbr.rel @p0 .LBB2_1-.Ltmp2, $4  }
0x67: {  	[hbm4b:s11+s3] =	stream.linear.scatter [tilespmem:s13], [sflag:$0x3], $0xA000, $0x38;
	[tilespmem:$0x19100] =	vst v63  }
0x68: {  	_ =	swait.ge [sflag:s14], $0xA000  }
0x69: {  	[sflag:s14] =	ssyncset.done $0x0  }
0x6a: {  	[sflag:s14] =	ssyncadd.s32 $0xFFFF6000  }
0x6b: {  	_ =	sfence.sel $0x180000  }
0x6c: {  	[bflag:$0x0] =	sbarrier.arrive $0xFFFF  }
0x6d: {  	p0 =	sne.s32 s1, $0x0;
	_ =	strace $0x90000047  }
0x6e: {  	s0 =	sadd.s32 @!p0 $0x100000, s0;
	[bflag:$0x2] =	sbarrier.arrive $0xFFFF  }
0x6f: {  	[sflag:s0] =	ssyncadd.tile.s32 @!p0 $0x1;
	_ =	shalt  }
.Lfunc_end2:
_tile_overlayer_lowered:
.L_overlay_start_2:
0x70: {  	(tag) =	ssettag $0x2  }
0x71: {  	s0 =	rddreg [dreg:$0x0];
	s2 =	stileid.u32  }
0x72: {  	s1 =	rddreg [dreg:$0x1];
	p0 =	sne.s32 s2, $0x0  }
0x73: {  	s3 =	rddreg [dreg:$0x2];
	[bflag:$0x3] =	sbarrier.arrive $0xFFFF;
	s2 =	simm.s32 @!p0 $0x1C03  }
0x74: {  	[timem:s3], [sflag:s2] =	dma.local @!p0 [hbm:s0], s1  }
0x75: {  	s0 =	simm.s32 @!p0 $0x3  }
0x76: {  	_ =	swait.ge @!p0 [sflag:s0], s1  }
0x77: {  	s1 =	ssub.s32 @!p0 $0x0, s1;
	[sflag:s0] =	ssyncset.done @!p0 $0x0  }
0x78: {  	[sflag:s0] =	ssyncadd.s32 @!p0 s1  }
0x79: {  	[bflag:$0x3] =	sbarrier.arrive $0xFFFF  }
0x7a: {  	_ =	shalt  }

</sc_bundles>
